<compile_context>
chip_gen: v7x
topology: tpu7x:2x2x1
jax: 0.10.2.dev20260603
libtpu: 0.0.44.dev20260713+nightly
codegen_flags: <defaults>
</compile_context>

<pallas_src>
import functools

import jax
import jax.numpy as jnp
from jax import lax
from jax.experimental import pallas as pl
from jax.experimental.pallas import tpu as pltpu
from jax.experimental.pallas import tpu_sc as plsc

NC = 2
NS = 16
NW = NC * NS
K = 128


def _sc_aggregate(feat, src, dst, zeros, *, ch, npad):
    n, d = feat.shape
    stripe = npad // NS

    def body(feat_hbm, src_hbm, dst_hbm, zeros_hbm, out_hbm,
             idx_s, idx_d, rows, agg_sh, gsem):
        c = lax.axis_index("c")
        s = lax.axis_index("s")
        wid = s * NC + c

        pltpu.sync_copy(zeros_hbm.at[pl.ds(s * stripe, stripe)],
                        agg_sh.at[pl.ds(s * stripe, stripe)])

        pltpu.sync_copy(src_hbm.at[wid], idx_s)
        pltpu.sync_copy(dst_hbm.at[wid], idx_d)
        plsc.subcore_barrier()

        def chunk(i, carry):
            pltpu.async_copy(feat_hbm.at[idx_s.at[i]], rows, gsem).wait()
            pltpu.sync_copy(rows, agg_sh.at[idx_d.at[i]], add=True)
            return carry

        lax.fori_loop(0, ch, chunk, 0)
        plsc.subcore_barrier()

        pltpu.sync_copy(agg_sh.at[pl.ds(s * stripe, stripe)],
                        out_hbm.at[c, pl.ds(s * stripe, stripe)])

    run = pl.kernel(
        body,
        out_type=jax.ShapeDtypeStruct((NC, npad, d), jnp.float32),
        mesh=plsc.VectorSubcoreMesh(core_axis_name="c", subcore_axis_name="s"),
        scratch_types=[
            pltpu.VMEM((ch, K), jnp.int32),
            pltpu.VMEM((ch, K), jnp.int32),
            pltpu.VMEM((K, d), jnp.float32),
            pltpu.VMEM_SHARED((npad, d), jnp.float32),
            pltpu.SemaphoreType.DMA,
        ],
    )
    return run(feat, src, dst, zeros)


def _tc_finish(partials, feat, degree2d, W, *, bn):
    n, d = feat.shape

    def body(p_ref, feat_ref, deg_ref, w_ref, o_ref):
        agg = p_ref[0] + p_ref[1]
        deg = deg_ref[...]
        inv = jnp.where(deg == 0.0, 1.0, 1.0 / deg)
        agg = agg * inv
        h = (jnp.dot(agg, w_ref[:d, :], preferred_element_type=jnp.float32)
             + jnp.dot(feat_ref[...], w_ref[d:, :],
                       preferred_element_type=jnp.float32))
        h = jnp.maximum(h, 0.0)
        denom = jnp.maximum(
            jnp.sqrt(jnp.sum(h * h, axis=1, keepdims=True)), 1e-12)
        o_ref[...] = h / denom

    return pl.pallas_call(
        body,
        grid=(n // bn,),
        in_specs=[
            pl.BlockSpec((NC, bn, d), lambda i: (0, i, 0)),
            pl.BlockSpec((bn, d), lambda i: (i, 0)),
            pl.BlockSpec((bn, 1), lambda i: (i, 0)),
            pl.BlockSpec((2 * d, d), lambda i: (0, 0)),
        ],
        out_specs=pl.BlockSpec((bn, d), lambda i: (i, 0)),
        out_shape=jax.ShapeDtypeStruct((n, d), jnp.float32),
    )(partials, feat, degree2d, W)


def kernel(feat, edge, degree, W):
    n, d = feat.shape
    e = edge.shape[0]

    ch = -(-e // (NW * K))
    epad = NW * K * ch
    npad = -(-(n + 1) // (NS * 8)) * (NS * 8)

    src = edge[:, 1].astype(jnp.int32)
    dst = edge[:, 0].astype(jnp.int32)
    pad = epad - e
    if pad:
        src = jnp.concatenate([src, jnp.zeros((pad,), jnp.int32)])
        dst = jnp.concatenate([dst, jnp.full((pad,), n, jnp.int32)])
    src = src.reshape(NW, ch, K)
    dst = dst.reshape(NW, ch, K)
    zeros = jnp.zeros((npad, d), jnp.float32)

    partials = _sc_aggregate(feat, src, dst, zeros, ch=ch, npad=npad)

    bn = 400 if n % 400 == 0 else 8
    return _tc_finish(partials, feat, degree.reshape(n, 1), W, bn=bn)

# --- scband reference (transcript-rebuilt; emitter-appended) ---
"""Pipeline reference for scband-graph-sage-layer-68934225101222 (READ-ONLY COPY).

The authoritative reference and input builder live on the scoring server;
editing this copy changes nothing except your own understanding.
"""

import jax, jax.numpy as jnp
import numpy as np

N = 10000
E = 320000
DIM_IN = 128
DIM_OUT = 128

def setup_inputs(seed: int = 0) -> dict:
    key = jax.random.key(seed)
    k1, k2, k3, k4 = jax.random.split(key, 4)
    feat = jax.random.normal(k1, (N, DIM_IN), dtype=jnp.float32)
    edge = jax.random.randint(k2, (E, 2), 0, N, dtype=jnp.int64)
    degree = jax.random.uniform(k3, (N,), dtype=jnp.float32)
    # nn.Linear(2*dim_in, dim_out, bias=False): weight [dim_out, 2*dim_in]; store transposed [2*dim_in, dim_out]
    W = jax.random.normal(k4, (2 * DIM_IN, DIM_OUT), dtype=jnp.float32) * 0.05
    return {"feat": feat, "edge": edge, "degree": degree, "W": W}

def reference(feat, edge, degree, W):
    # agg == 'mean' branch of GraphSageLayer
    feat_t = jnp.take(feat, edge[:, 1], axis=0)                      # gather neighbor feats [E, d]
    agg_neighbor = jnp.zeros((feat.shape[0], feat.shape[1]), dtype=jnp.float32).at[edge[:, 0]].add(feat_t)  # scatter-add
    inv_degree = jnp.where(degree == 0.0, 1.0, 1.0 / degree)[:, None]
    agg = agg_neighbor * inv_degree
    h = jnp.concatenate((agg, feat), axis=1) @ W                      # Linear, no bias
    h = jax.nn.relu(h)
    # F.normalize(x, p=2, dim=-1): x / clamp(||x||_2, min=1e-12)
    denom = jnp.maximum(jnp.linalg.norm(h, ord=2, axis=-1, keepdims=True), 1e-12)
    return h / denom

if __name__ == "__main__":
    import jax
    _d = setup_inputs()
    print(jax.jit(kernel)(*tuple(_d.values())))

</pallas_src>

<mosaic_0001>
#map = affine_map<(d0, d1) -> (0, 0)>
#map1 = affine_map<(d0, d1) -> (0, 0, 0)>
module attributes {stable_mosaic.version = 14 : i64} {
  func.func @body(%arg0: i32, %arg1: i32, %arg2: memref<10000x128xf32, #tpu.memory_space<hbm>>, %arg3: memref<32x79x128xi32, #tpu.memory_space<hbm>>, %arg4: memref<32x79x128xi32, #tpu.memory_space<hbm>>, %arg5: memref<10112x128xf32, #tpu.memory_space<hbm>>, %arg6: memref<2x10112x128xf32, #tpu.memory_space<hbm>>, %arg7: memref<79x128xi32, #tpu.memory_space<vmem>>, %arg8: memref<79x128xi32, #tpu.memory_space<vmem>>, %arg9: memref<128x128xf32, #tpu.memory_space<vmem>>, %arg10: memref<10112x128xf32, #tpu.memory_space<vmem_shared>>, %arg11: memref<!tpu.dma_semaphore, #tpu.memory_space<semaphore_mem>>) attributes {dimension_semantics = [#tpu.dimension_semantics<core_parallel>, #tpu.dimension_semantics<subcore_parallel>], iteration_bounds = array<i64: 2, 16>, scalar_prefetch = 0 : i64, scratch_operands = 5 : i64, tpu.core_type = #tpu.core_type<sc_vector_subcore>, window_params = [{transform_indices = #map}, {transform_indices = #map1}, {transform_indices = #map1}, {transform_indices = #map}, {transform_indices = #map1}]} {
    %mul3A = arith.constant 2 : i32
    %mul3A_0 = arith.muli %arg1, %mul3A : i32
    %add3A = arith.addi %mul3A_0, %arg0 : i32
    %mul3A_1 = arith.constant 632 : i32
    %mul3A_2 = arith.muli %arg1, %mul3A_1 : i32
    %mul3A_3 = arith.constant 632 : i32
    %mul3A_4 = arith.muli %arg1, %mul3A_3 : i32
    "tpu.region"() ({
      %run_scoped3A = tpu.sem_alloc : memref<!tpu.dma_semaphore, #tpu.memory_space<semaphore_mem>>
      %dma_start3A = arith.constant 0 : i32
      %dma_start3A_15 = tpu.memref_slice %arg10[%mul3A_4, %dma_start3A] : memref<10112x128xf32, #tpu.memory_space<vmem_shared>> -> memref<632x128xf32, #tpu.memory_space<vmem_shared>>
      %dma_start3A_16 = arith.constant 0 : i32
      %dma_start3A_17 = tpu.memref_slice %arg5[%mul3A_2, %dma_start3A_16] : memref<10112x128xf32, #tpu.memory_space<hbm>> -> memref<632x128xf32, #tpu.memory_space<hbm>>
      tpu.enqueue_dma source(%dma_start3A_17 : memref<632x128xf32, #tpu.memory_space<hbm>>) target(%dma_start3A_15 : memref<632x128xf32, #tpu.memory_space<vmem_shared>>) target_semaphore(%run_scoped3A : memref<!tpu.dma_semaphore, #tpu.memory_space<semaphore_mem>>)
      %dma_wait3A = arith.constant 0 : i32
      %dma_wait3A_18 = tpu.memref_slice %arg10[%mul3A_4, %dma_wait3A] : memref<10112x128xf32, #tpu.memory_space<vmem_shared>> -> memref<632x128xf32, #tpu.memory_space<vmem_shared>>
      %dma_wait3A_19 = arith.constant 0 : i32
      %dma_wait3A_20 = tpu.memref_slice %arg5[%mul3A_2, %dma_wait3A_19] : memref<10112x128xf32, #tpu.memory_space<hbm>> -> memref<632x128xf32, #tpu.memory_space<hbm>>
      tpu.wait_dma2 semaphore(%run_scoped3A : memref<!tpu.dma_semaphore, #tpu.memory_space<semaphore_mem>>) src(%dma_wait3A_20 : memref<632x128xf32, #tpu.memory_space<hbm>>) dst(%dma_wait3A_18 : memref<632x128xf32, #tpu.memory_space<vmem_shared>>)
      tpu.yield
    }) : () -> ()
    "tpu.region"() ({
      %run_scoped3A = tpu.sem_alloc : memref<!tpu.dma_semaphore, #tpu.memory_space<semaphore_mem>>
      %dma_start3A = arith.constant 0 : i32
      %dma_start3A_15 = arith.constant 0 : i32
      %dma_start3A_16 = tpu.memref_slice %arg3[%add3A, %dma_start3A, %dma_start3A_15] : memref<32x79x128xi32, #tpu.memory_space<hbm>> -> memref<1x79x128xi32, #tpu.memory_space<hbm>>
      %dma_start3A_17 = tpu.memref_squeeze %dma_start3A_16 : memref<1x79x128xi32, #tpu.memory_space<hbm>> -> memref<79x128xi32, #tpu.memory_space<hbm>>
      %dma_start3A_18 = arith.constant 0 : i32
      %dma_start3A_19 = arith.constant 0 : i32
      %dma_start3A_20 = tpu.memref_slice %arg3[%add3A, %dma_start3A_18, %dma_start3A_19] : memref<32x79x128xi32, #tpu.memory_space<hbm>> -> memref<1x79x128xi32, #tpu.memory_space<hbm>>
      %dma_start3A_21 = tpu.memref_squeeze %dma_start3A_20 : memref<1x79x128xi32, #tpu.memory_space<hbm>> -> memref<79x128xi32, #tpu.memory_space<hbm>>
      tpu.enqueue_dma source(%dma_start3A_21 : memref<79x128xi32, #tpu.memory_space<hbm>>) target(%arg7 : memref<79x128xi32, #tpu.memory_space<vmem>>) target_semaphore(%run_scoped3A : memref<!tpu.dma_semaphore, #tpu.memory_space<semaphore_mem>>)
      %dma_wait3A = arith.constant 0 : i32
      %dma_wait3A_22 = arith.constant 0 : i32
      %dma_wait3A_23 = tpu.memref_slice %arg3[%add3A, %dma_wait3A, %dma_wait3A_22] : memref<32x79x128xi32, #tpu.memory_space<hbm>> -> memref<1x79x128xi32, #tpu.memory_space<hbm>>
      %dma_wait3A_24 = tpu.memref_squeeze %dma_wait3A_23 : memref<1x79x128xi32, #tpu.memory_space<hbm>> -> memref<79x128xi32, #tpu.memory_space<hbm>>
      %dma_wait3A_25 = arith.constant 0 : i32
      %dma_wait3A_26 = arith.constant 0 : i32
      %dma_wait3A_27 = tpu.memref_slice %arg3[%add3A, %dma_wait3A_25, %dma_wait3A_26] : memref<32x79x128xi32, #tpu.memory_space<hbm>> -> memref<1x79x128xi32, #tpu.memory_space<hbm>>
      %dma_wait3A_28 = tpu.memref_squeeze %dma_wait3A_27 : memref<1x79x128xi32, #tpu.memory_space<hbm>> -> memref<79x128xi32, #tpu.memory_space<hbm>>
      tpu.wait_dma2 semaphore(%run_scoped3A : memref<!tpu.dma_semaphore, #tpu.memory_space<semaphore_mem>>) src(%dma_wait3A_28 : memref<79x128xi32, #tpu.memory_space<hbm>>) dst(%arg7 : memref<79x128xi32, #tpu.memory_space<vmem>>)
      tpu.yield
    }) : () -> ()
    "tpu.region"() ({
      %run_scoped3A = tpu.sem_alloc : memref<!tpu.dma_semaphore, #tpu.memory_space<semaphore_mem>>
      %dma_start3A = arith.constant 0 : i32
      %dma_start3A_15 = arith.constant 0 : i32
      %dma_start3A_16 = tpu.memref_slice %arg4[%add3A, %dma_start3A, %dma_start3A_15] : memref<32x79x128xi32, #tpu.memory_space<hbm>> -> memref<1x79x128xi32, #tpu.memory_space<hbm>>
      %dma_start3A_17 = tpu.memref_squeeze %dma_start3A_16 : memref<1x79x128xi32, #tpu.memory_space<hbm>> -> memref<79x128xi32, #tpu.memory_space<hbm>>
      %dma_start3A_18 = arith.constant 0 : i32
      %dma_start3A_19 = arith.constant 0 : i32
      %dma_start3A_20 = tpu.memref_slice %arg4[%add3A, %dma_start3A_18, %dma_start3A_19] : memref<32x79x128xi32, #tpu.memory_space<hbm>> -> memref<1x79x128xi32, #tpu.memory_space<hbm>>
      %dma_start3A_21 = tpu.memref_squeeze %dma_start3A_20 : memref<1x79x128xi32, #tpu.memory_space<hbm>> -> memref<79x128xi32, #tpu.memory_space<hbm>>
      tpu.enqueue_dma source(%dma_start3A_21 : memref<79x128xi32, #tpu.memory_space<hbm>>) target(%arg8 : memref<79x128xi32, #tpu.memory_space<vmem>>) target_semaphore(%run_scoped3A : memref<!tpu.dma_semaphore, #tpu.memory_space<semaphore_mem>>)
      %dma_wait3A = arith.constant 0 : i32
      %dma_wait3A_22 = arith.constant 0 : i32
      %dma_wait3A_23 = tpu.memref_slice %arg4[%add3A, %dma_wait3A, %dma_wait3A_22] : memref<32x79x128xi32, #tpu.memory_space<hbm>> -> memref<1x79x128xi32, #tpu.memory_space<hbm>>
      %dma_wait3A_24 = tpu.memref_squeeze %dma_wait3A_23 : memref<1x79x128xi32, #tpu.memory_space<hbm>> -> memref<79x128xi32, #tpu.memory_space<hbm>>
      %dma_wait3A_25 = arith.constant 0 : i32
      %dma_wait3A_26 = arith.constant 0 : i32
      %dma_wait3A_27 = tpu.memref_slice %arg4[%add3A, %dma_wait3A_25, %dma_wait3A_26] : memref<32x79x128xi32, #tpu.memory_space<hbm>> -> memref<1x79x128xi32, #tpu.memory_space<hbm>>
      %dma_wait3A_28 = tpu.memref_squeeze %dma_wait3A_27 : memref<1x79x128xi32, #tpu.memory_space<hbm>> -> memref<79x128xi32, #tpu.memory_space<hbm>>
      tpu.wait_dma2 semaphore(%run_scoped3A : memref<!tpu.dma_semaphore, #tpu.memory_space<semaphore_mem>>) src(%dma_wait3A_28 : memref<79x128xi32, #tpu.memory_space<hbm>>) dst(%arg8 : memref<79x128xi32, #tpu.memory_space<vmem>>)
      tpu.yield
    }) : () -> ()
    %barrier3A = arith.constant 0 : index
    tpu.barrier barrier_id(%barrier3A)
    %scan3A = arith.constant 0 : i32
    %scan3A_5 = arith.constant 0 : i32
    %scan3A_6 = arith.constant 79 : i32
    %scan3A_7 = arith.addi %scan3A_5, %scan3A_6 : i32
    %scan3A_8 = arith.constant 1 : i32
    scf.for %scan3A_15 = %scan3A_5 to %scan3A_7 step %scan3A_8  : i32 {
      %dma_start3A = arith.constant 0 : i32
      %dma_start3A_16 = tpu.memref_slice %arg7[%scan3A_15, %dma_start3A] : memref<79x128xi32, #tpu.memory_space<vmem>> -> memref<1x128xi32, #tpu.memory_space<vmem>>
      %dma_start3A_17 = tpu.memref_squeeze %dma_start3A_16 : memref<1x128xi32, #tpu.memory_space<vmem>> -> memref<128xi32, #tpu.memory_space<vmem>>
      %dma_start3A_18 = arith.constant 0 : i32
      %dma_start3A_19 = arith.constant 0 : i32
      %dma_start3A_20 = tpu.memref_slice %arg2[%dma_start3A_18, %dma_start3A_19] : memref<10000x128xf32, #tpu.memory_space<hbm>> -> memref<10000x128xf32, #tpu.memory_space<hbm>>
      tpu.enqueue_indirect_dma source(%dma_start3A_20 : memref<10000x128xf32, #tpu.memory_space<hbm>>) target(%arg9 : memref<128x128xf32, #tpu.memory_space<vmem>>) offsets(%dma_start3A_17 : memref<128xi32, #tpu.memory_space<vmem>>) semaphore(%arg11 : memref<!tpu.dma_semaphore, #tpu.memory_space<semaphore_mem>>)
      %dma_wait3A = arith.constant 0 : i32
      %dma_wait3A_21 = tpu.memref_slice %arg7[%scan3A_15, %dma_wait3A] : memref<79x128xi32, #tpu.memory_space<vmem>> -> memref<1x128xi32, #tpu.memory_space<vmem>>
      %dma_wait3A_22 = tpu.memref_squeeze %dma_wait3A_21 : memref<1x128xi32, #tpu.memory_space<vmem>> -> memref<128xi32, #tpu.memory_space<vmem>>
      %dma_wait3A_23 = arith.constant 0 : i32
      %dma_wait3A_24 = arith.constant 0 : i32
      %dma_wait3A_25 = tpu.memref_slice %arg2[%dma_wait3A_23, %dma_wait3A_24] : memref<10000x128xf32, #tpu.memory_space<hbm>> -> memref<10000x128xf32, #tpu.memory_space<hbm>>
      tpu.wait_indirect_dma semaphore(%arg11 : memref<!tpu.dma_semaphore, #tpu.memory_space<semaphore_mem>>) src(%dma_wait3A_25 : memref<10000x128xf32, #tpu.memory_space<hbm>>) dst(%arg9 : memref<128x128xf32, #tpu.memory_space<vmem>>)
      "tpu.region"() ({
        %run_scoped3A = tpu.sem_alloc : memref<!tpu.dma_semaphore, #tpu.memory_space<semaphore_mem>>
        %dma_start3A_26 = arith.constant 0 : i32
        %dma_start3A_27 = tpu.memref_slice %arg8[%scan3A_15, %dma_start3A_26] : memref<79x128xi32, #tpu.memory_space<vmem>> -> memref<1x128xi32, #tpu.memory_space<vmem>>
        %dma_start3A_28 = tpu.memref_squeeze %dma_start3A_27 : memref<1x128xi32, #tpu.memory_space<vmem>> -> memref<128xi32, #tpu.memory_space<vmem>>
        %dma_start3A_29 = arith.constant 0 : i32
        %dma_start3A_30 = arith.constant 0 : i32
        %dma_start3A_31 = tpu.memref_slice %arg10[%dma_start3A_29, %dma_start3A_30] : memref<10112x128xf32, #tpu.memory_space<vmem_shared>> -> memref<10112x128xf32, #tpu.memory_space<vmem_shared>>
        tpu.enqueue_indirect_dma source(%arg9 : memref<128x128xf32, #tpu.memory_space<vmem>>) target(%dma_start3A_31 : memref<10112x128xf32, #tpu.memory_space<vmem_shared>>) offsets(%dma_start3A_28 : memref<128xi32, #tpu.memory_space<vmem>>) semaphore(%run_scoped3A : memref<!tpu.dma_semaphore, #tpu.memory_space<semaphore_mem>>) {add = true}
        %dma_wait3A_32 = arith.constant 0 : i32
        %dma_wait3A_33 = tpu.memref_slice %arg8[%scan3A_15, %dma_wait3A_32] : memref<79x128xi32, #tpu.memory_space<vmem>> -> memref<1x128xi32, #tpu.memory_space<vmem>>
        %dma_wait3A_34 = tpu.memref_squeeze %dma_wait3A_33 : memref<1x128xi32, #tpu.memory_space<vmem>> -> memref<128xi32, #tpu.memory_space<vmem>>
        %dma_wait3A_35 = arith.constant 0 : i32
        %dma_wait3A_36 = arith.constant 0 : i32
        %dma_wait3A_37 = tpu.memref_slice %arg10[%dma_wait3A_35, %dma_wait3A_36] : memref<10112x128xf32, #tpu.memory_space<vmem_shared>> -> memref<10112x128xf32, #tpu.memory_space<vmem_shared>>
        tpu.wait_indirect_dma semaphore(%run_scoped3A : memref<!tpu.dma_semaphore, #tpu.memory_space<semaphore_mem>>) src(%arg9 : memref<128x128xf32, #tpu.memory_space<vmem>>) dst(%dma_wait3A_37 : memref<10112x128xf32, #tpu.memory_space<vmem_shared>>)
        tpu.yield
      }) : () -> ()
    }
    %scan3A_9 = arith.constant 79 : i32
    %barrier3A_10 = arith.constant 0 : index
    tpu.barrier barrier_id(%barrier3A_10)
    %mul3A_11 = arith.constant 632 : i32
    %mul3A_12 = arith.muli %arg1, %mul3A_11 : i32
    %mul3A_13 = arith.constant 632 : i32
    %mul3A_14 = arith.muli %arg1, %mul3A_13 : i32
    "tpu.region"() ({
      %run_scoped3A = tpu.sem_alloc : memref<!tpu.dma_semaphore, #tpu.memory_space<semaphore_mem>>
      %dma_start3A = arith.constant 0 : i32
      %dma_start3A_15 = tpu.memref_slice %arg6[%arg0, %mul3A_14, %dma_start3A] : memref<2x10112x128xf32, #tpu.memory_space<hbm>> -> memref<1x632x128xf32, #tpu.memory_space<hbm>>
      %dma_start3A_16 = tpu.memref_squeeze %dma_start3A_15 : memref<1x632x128xf32, #tpu.memory_space<hbm>> -> memref<632x128xf32, #tpu.memory_space<hbm>>
      %dma_start3A_17 = arith.constant 0 : i32
      %dma_start3A_18 = tpu.memref_slice %arg10[%mul3A_12, %dma_start3A_17] : memref<10112x128xf32, #tpu.memory_space<vmem_shared>> -> memref<632x128xf32, #tpu.memory_space<vmem_shared>>
      tpu.enqueue_dma source(%dma_start3A_18 : memref<632x128xf32, #tpu.memory_space<vmem_shared>>) target(%dma_start3A_16 : memref<632x128xf32, #tpu.memory_space<hbm>>) target_semaphore(%run_scoped3A : memref<!tpu.dma_semaphore, #tpu.memory_space<semaphore_mem>>)
      %dma_wait3A = arith.constant 0 : i32
      %dma_wait3A_19 = tpu.memref_slice %arg6[%arg0, %mul3A_14, %dma_wait3A] : memref<2x10112x128xf32, #tpu.memory_space<hbm>> -> memref<1x632x128xf32, #tpu.memory_space<hbm>>
      %dma_wait3A_20 = tpu.memref_squeeze %dma_wait3A_19 : memref<1x632x128xf32, #tpu.memory_space<hbm>> -> memref<632x128xf32, #tpu.memory_space<hbm>>
      %dma_wait3A_21 = arith.constant 0 : i32
      %dma_wait3A_22 = tpu.memref_slice %arg10[%mul3A_12, %dma_wait3A_21] : memref<10112x128xf32, #tpu.memory_space<vmem_shared>> -> memref<632x128xf32, #tpu.memory_space<vmem_shared>>
      tpu.wait_dma2 semaphore(%run_scoped3A : memref<!tpu.dma_semaphore, #tpu.memory_space<semaphore_mem>>) src(%dma_wait3A_22 : memref<632x128xf32, #tpu.memory_space<vmem_shared>>) dst(%dma_wait3A_20 : memref<632x128xf32, #tpu.memory_space<hbm>>)
      tpu.yield
    }) : () -> ()
    return
  }
}

module attributes {stable_mosaic.version = 14 : i64} {
  func.func @body(%arg0: i32, %arg1: memref<2x400x128xf32, #tpu.memory_space<vmem>>, %arg2: memref<400x128xf32, #tpu.memory_space<vmem>>, %arg3: memref<400x1xf32, #tpu.memory_space<vmem>>, %arg4: memref<256x128xf32, #tpu.memory_space<vmem>>, %arg5: memref<400x128xf32, #tpu.memory_space<vmem>>) attributes {dimension_semantics = [#tpu.dimension_semantics<arbitrary>], iteration_bounds = array<i64: 25>, scalar_prefetch = 0 : i64, scratch_operands = 0 : i64, tpu.core_type = #tpu.core_type<tc>, window_params = [{transform_indices = @transform_0, window_bounds = array<i64: 2, 400, 128>}, {transform_indices = @transform_1, window_bounds = array<i64: 400, 128>}, {transform_indices = @transform_2, window_bounds = array<i64: 400, 1>}, {pipeline_mode = #tpu.pipeline_mode<synchronous>, transform_indices = @transform_3, window_bounds = array<i64: 256, 128>}, {transform_indices = @transform_4, window_bounds = array<i64: 400, 128>}]} {
    %get3A = arith.constant 0 : index
    %get3A_0 = arith.constant 0 : index
    %get3A_1 = arith.constant 0 : index
    %get3A_2 = vector.load %arg1[%get3A, %get3A_0, %get3A_1] : memref<2x400x128xf32, #tpu.memory_space<vmem>>, vector<1x400x128xf32>
    %get3A_3 = vector.shape_cast %get3A_2 : vector<1x400x128xf32> to vector<400x128xf32>
    %get3A_4 = arith.constant 1 : index
    %get3A_5 = arith.constant 0 : index
    %get3A_6 = arith.constant 0 : index
    %get3A_7 = vector.load %arg1[%get3A_4, %get3A_5, %get3A_6] : memref<2x400x128xf32, #tpu.memory_space<vmem>>, vector<1x400x128xf32>
    %get3A_8 = vector.shape_cast %get3A_7 : vector<1x400x128xf32> to vector<400x128xf32>
    %add3A = arith.addf %get3A_3, %get3A_8 : vector<400x128xf32>
    %get3A_9 = arith.constant 0 : index
    %get3A_10 = arith.constant 0 : index
    %get3A_11 = vector.load %arg3[%get3A_9, %get3A_10] : memref<400x1xf32, #tpu.memory_space<vmem>>, vector<400x1xf32>
    %eq3A = arith.constant 0.000000e+00 : f32
    %eq3A_12 = vector.broadcast %eq3A : f32 to vector<400x1xf32>
    %eq3A_13 = arith.cmpf oeq, %get3A_11, %eq3A_12 : vector<400x1xf32>
    %div3A = arith.constant 1.000000e+00 : f32
    %div3A_14 = vector.broadcast %div3A : f32 to vector<400x1xf32>
    %div3A_15 = arith.divf %div3A_14, %get3A_11 : vector<400x1xf32>
    %jit3A = arith.constant 1.000000e+00 : f32
    %broadcast_in_dim3A = vector.broadcast %jit3A : f32 to vector<400x1xf32>
    %select_n3A = arith.select %eq3A_13, %broadcast_in_dim3A, %div3A_15 : vector<400x1xi1>, vector<400x1xf32>
    %mul3A = vector.broadcast %select_n3A : vector<400x1xf32> to vector<400x128xf32>
    %mul3A_16 = arith.mulf %add3A, %mul3A : vector<400x128xf32>
    %get3A_17 = arith.constant 0 : index
    %get3A_18 = arith.constant 0 : index
    %get3A_19 = vector.load %arg4[%get3A_17, %get3A_18] : memref<256x128xf32, #tpu.memory_space<vmem>>, vector<128x128xf32>
    %dot_general3A = arith.constant dense<0.000000e+00> : vector<400x128xf32>
    %dot_general3A_20 = tpu.matmul %mul3A_16, %get3A_19, %dot_general3A {dimension_numbers = #tpu.dot_dimension_numbers<[1], [0], [0], [1], [0, 0, 1, 1], [], []>, transpose_lhs_hint = false} : vector<400x128xf32>, vector<128x128xf32>, vector<400x128xf32> -> vector<400x128xf32>
    %get3A_21 = arith.constant 0 : index
    %get3A_22 = arith.constant 0 : index
    %get3A_23 = vector.load %arg2[%get3A_21, %get3A_22] : memref<400x128xf32, #tpu.memory_space<vmem>>, vector<400x128xf32>
    %get3A_24 = arith.constant 128 : index
    %get3A_25 = arith.constant 0 : index
    %get3A_26 = vector.load %arg4[%get3A_24, %get3A_25] : memref<256x128xf32, #tpu.memory_space<vmem>>, vector<128x128xf32>
    %dot_general3A_27 = arith.constant dense<0.000000e+00> : vector<400x128xf32>
    %dot_general3A_28 = tpu.matmul %get3A_23, %get3A_26, %dot_general3A_27 {dimension_numbers = #tpu.dot_dimension_numbers<[1], [0], [0], [1], [0, 0, 1, 1], [], []>, transpose_lhs_hint = false} : vector<400x128xf32>, vector<128x128xf32>, vector<400x128xf32> -> vector<400x128xf32>
    %add3A_29 = arith.addf %dot_general3A_20, %dot_general3A_28 : vector<400x128xf32>
    %max3A = arith.constant 0.000000e+00 : f32
    %max3A_30 = vector.broadcast %max3A : f32 to vector<400x128xf32>
    %max3A_31 = arith.maximumf %add3A_29, %max3A_30 : vector<400x128xf32>
    %mul3A_32 = arith.mulf %max3A_31, %max3A_31 : vector<400x128xf32>
    %reduce_sum3A = arith.constant dense<0.000000e+00> : vector<400xf32>
    %reduce_sum3A_33 = vector.multi_reduction <add>, %mul3A_32, %reduce_sum3A [1] : vector<400x128xf32> to vector<400xf32>
    %broadcast_in_dim3A_34 = vector.shape_cast %reduce_sum3A_33 : vector<400xf32> to vector<400x1xf32>
    %sqrt3A = math.sqrt %broadcast_in_dim3A_34 : vector<400x1xf32>
    %max3A_35 = arith.constant 9.99999996E-13 : f32
    %max3A_36 = vector.broadcast %max3A_35 : f32 to vector<400x1xf32>
    %max3A_37 = arith.maximumf %sqrt3A, %max3A_36 : vector<400x1xf32>
    %div3A_38 = vector.broadcast %max3A_37 : vector<400x1xf32> to vector<400x128xf32>
    %div3A_39 = arith.divf %max3A_31, %div3A_38 : vector<400x128xf32>
    %swap3A = arith.constant 0 : index
    %swap3A_40 = arith.constant 0 : index
    %swap3A_41 = vector.load %arg5[%swap3A, %swap3A_40] : memref<400x128xf32, #tpu.memory_space<vmem>>, vector<400x128xf32>
    tpu.vector_store %arg5[%swap3A, %swap3A_40], %div3A_39 {strides = array<i32>} : memref<400x128xf32, #tpu.memory_space<vmem>>, vector<400x128xf32>,
    return
  }
  func.func @transform_0(%arg0: i32) -> (i32, i32, i32) {
    %c0_i32 = arith.constant 0 : i32
    %c0_i32_0 = arith.constant 0 : i32
    %c0_i32_1 = arith.constant 0 : i32
    return %c0_i32, %arg0, %c0_i32_0 : i32, i32, i32
  }
  func.func @transform_1(%arg0: i32) -> (i32, i32) {
    %c0_i32 = arith.constant 0 : i32
    %c0_i32_0 = arith.constant 0 : i32
    return %arg0, %c0_i32 : i32, i32
  }
  func.func @transform_2(%arg0: i32) -> (i32, i32) {
    %c0_i32 = arith.constant 0 : i32
    %c0_i32_0 = arith.constant 0 : i32
    return %arg0, %c0_i32 : i32, i32
  }
  func.func @transform_3(%arg0: i32) -> (i32, i32) {
    %c0_i32 = arith.constant 0 : i32
    %c0_i32_0 = arith.constant 0 : i32
    %c0_i32_1 = arith.constant 0 : i32
    return %c0_i32, %c0_i32_0 : i32, i32
  }
  func.func @transform_4(%arg0: i32) -> (i32, i32) {
    %c0_i32 = arith.constant 0 : i32
    %c0_i32_0 = arith.constant 0 : i32
    return %arg0, %c0_i32 : i32, i32
  }
}

</mosaic_0001>

<sc_bundles>
// kernel: kernel.4.cloned.1.call-start
scs
__scs_entry_jumppad:
0x0: {  	(pc) =	sbr.rel $0x88, $3  }
0x1: {  	(tag) =	ssettag $0x0;
	lr =	simm.s32 $0x1  }
0x2: {  	[smem:$0x3F9D] =	sst lr;
	_ =	strace $0xD0000000  }
0x3: {  	_ = 	snop  }
0x4: {  	_ = 	snop  }
0x5: {  	_ = 	snop  }
0x6: {  	_ = 	snop  }
0x7: {  	_ = 	snop  }
__scs_overlays_trampoline_lowered:
0x8: {  	[smem:$0x3FAC] =	sst s0  }
0x9: {  	[smem:$0x3FAD] =	sst s1  }
0xa: {  	[smem:$0x3FAE] =	sst s2  }
0xb: {  	[smem:$0x3FAF] =	sst s3  }
0xc: {  	[smem:$0x3FB0] =	sst s4  }
0xd: {  	[smem:$0x3FB1] =	sst s5  }
0xe: {  	[smem:$0x3FB2] =	sst s6  }
0xf: {  	[smem:$0x3FB3] =	sst s7  }
0x10: {  	[smem:$0x3FB4] =	sst s8  }
0x11: {  	[smem:$0x3FB5] =	sst s9;
	s0 =	simm.s32 @!p0 $0x0  }
0x12: {  	s1 =	sld [smem:$0x3F9B];
	s0 =	simm.s32 @p0 $0x1  }
0x13: {  	[smem:$0x3FB6] =	sst s0;
	s0 =	simm.s32 @!p1 $0x0  }
0x14: {  	s2 =	sld [smem:$0x3F9A];
	s0 =	simm.s32 @p1 $0x1  }
0x15: {  	[smem:$0x3FB7] =	sst s0;
	s0 =	simm.s32 @!p2 $0x0  }
0x16: {  	s3 =	sld [smem:$0x3FDB];
	s0 =	simm.s32 @p2 $0x1  }
0x17: {  	s4 =	simm.s32 $0x1BF5;
	[smem:$0x3FB9] =	sst s0  }
0x18: {  	s0 =	sld [smem:$0x3F9C];
	_ =	swait.ge [sflag:s4], $0x0  }
0x19: {  	s7 =	sld [smem:$0x3F9D]  }
0x1a: {  	s8 =	sadd.s32 $0xFFFFE003, lr  }
0x1b: {  	s9 =	sadd.s32 $0xFFFFFEF7, lr;
	s5 =	simm.s32 $0xFFFFFFFF;
	p2 =	slt.u32 s8, $0xFFFFF086  }
0x1c: {  	p1 =	slt.u32 s9, $0xF7A;
	s5 =	simm.s32 @!p2 $0x0  }
0x1d: {  	s5 =	simm.s32 @p1 $0x1;
	p0 =	seq.s32 s7, s2  }
0x1e: {  	s7 =	smul.u32 @!p0 $0xF7A, s2;
	p2 =	seq.s32 @!p0 s5, $0x0  }
0x1f: {  	s9 =	smul.u32 $0xF7A, s1;
	s8 =	simm.s32 @!p0 $0x1BF5;
	p2 =	por !p2, p0  }
0x20: {  	[sflag:s8] =	ssyncset.s32 @!p0 $0xFFFFF086;
	s6 =	sadd.s32 @!p0 s3, s7;
	s7 =	simm.s32 @!p0 $0x108  }
0x21: {  	s3 =	sadd.s32 s3, s9;
	s6 =	sadd.s32 @!p0 $0x88, s6;
	s7 =	simm.s32 @p2 $0x1082  }
0x22: {  	[simem:s7], [sflag:s8] =	dma.local @!p0 [hbm:s6], $0xF7A  }
0x23: {  	s9 =	sor.u32 $0xD0000000, s2;
	s6 =	simm.s32 $0x108;
	_ =	swait.ge @!p0 [sflag:s8], $0x0  }
0x24: {  	s3 =	sadd.s32 $0x88, s3;
	s6 =	simm.s32 @!p1 $0x1082;
	[sflag:s4] =	ssyncset.s32 $0xFFFFF086  }
0x25: {  	[simem:s6], [sflag:s4] =	dma.local [hbm:s3], $0xF7A  }
0x26: {  	[smem:$0x3F9D] =	sst s1;
	(tag) =	ssettag s2;
	_ =	strace s9  }
0x27: {  	s1 =	sld [smem:$0x3FAD]  }
0x28: {  	s2 =	sld [smem:$0x3FAE]  }
0x29: {  	s4 =	sld [smem:$0x3FB0]  }
0x2a: {  	p0 =	seq.s32 s5, $0x0;
	s5 =	sld [smem:$0x3FB1]  }
0x2b: {  	s6 =	sld [smem:$0x3FB2]  }
0x2c: {  	s7 =	sld [smem:$0x3FB3]  }
0x2d: {  	s3 =	simm.s32 $0x108;
	s8 =	sld [smem:$0x3FB4]  }
0x2e: {  	s3 =	simm.s32 @!p0 $0x1082;
	s9 =	sld [smem:$0x3FB5]  }
0x2f: {  	lr =	sadd.s32 s0, s3;
	s0 =	sld [smem:$0x3FAC]  }
0x30: {  	s3 =	sld [smem:$0x3FAF]  }
0x31: {  	[smem:$0x3FB8] =	sst s10  }
0x32: {  	s10 =	sld [smem:$0x3FB6];
	_ =	sdelay $0x3  }
0x33: {  	p0 =	seq.s32 s10, $0x1;
	s10 =	sld [smem:$0x3FB8];
	_ =	sdelay $0x3  }
0x34: {  	[smem:$0x3FB8] =	sst s10  }
0x35: {  	s10 =	sld [smem:$0x3FB7];
	_ =	sdelay $0x3  }
0x36: {  	p1 =	seq.s32 s10, $0x1;
	s10 =	sld [smem:$0x3FB8];
	_ =	sdelay $0x3  }
0x37: {  	[smem:$0x3FB8] =	sst s10  }
0x38: {  	s10 =	sld [smem:$0x3FB9]  }
0x39: {  	_ = 	snop;
	(pc) =	sbr.ind lr, $3  }
0x3a: {  	_ = 	snop  }
0x3b: {  	_ = 	snop  }
0x3c: {  	p2 =	seq.s32 s10, $0x1;
	s10 =	sld [smem:$0x3FB8]  }
0x3d: {  	_ =	shalt  }
0x3e: {  	_ =	shalt  }
0x3f: {  	_ =	shalt  }
0x40: {  	_ =	shalt  }
0x41: {  	_ =	shalt  }
0x42: {  	_ =	shalt  }
0x43: {  	_ =	shalt  }
0x44: {  	_ =	shalt  }
0x45: {  	_ =	shalt  }
0x46: {  	_ =	shalt  }
0x47: {  	_ =	shalt  }
0x48: {  	_ =	shalt  }
0x49: {  	_ =	shalt  }
0x4a: {  	_ =	shalt  }
0x4b: {  	_ =	shalt  }
0x4c: {  	_ =	shalt  }
0x4d: {  	_ =	shalt  }
0x4e: {  	_ =	shalt  }
0x4f: {  	_ =	shalt  }
0x50: {  	_ =	shalt  }
0x51: {  	_ =	shalt  }
0x52: {  	_ =	shalt  }
0x53: {  	_ =	shalt  }
0x54: {  	_ =	shalt  }
0x55: {  	_ =	shalt  }
0x56: {  	_ =	shalt  }
0x57: {  	_ =	shalt  }
0x58: {  	_ =	shalt  }
0x59: {  	_ =	shalt  }
0x5a: {  	_ =	shalt  }
0x5b: {  	_ =	shalt  }
0x5c: {  	_ =	shalt  }
0x5d: {  	_ =	shalt  }
0x5e: {  	_ =	shalt  }
0x5f: {  	_ =	shalt  }
0x60: {  	_ =	shalt  }
0x61: {  	_ =	shalt  }
0x62: {  	_ =	shalt  }
0x63: {  	_ =	shalt  }
0x64: {  	_ =	shalt  }
0x65: {  	_ =	shalt  }
0x66: {  	_ =	shalt  }
0x67: {  	_ =	shalt  }
0x68: {  	_ =	shalt  }
0x69: {  	_ =	shalt  }
0x6a: {  	_ =	shalt  }
0x6b: {  	_ =	shalt  }
0x6c: {  	_ =	shalt  }
0x6d: {  	_ =	shalt  }
0x6e: {  	_ =	shalt  }
0x6f: {  	_ =	shalt  }
0x70: {  	_ =	shalt  }
0x71: {  	_ =	shalt  }
0x72: {  	_ =	shalt  }
0x73: {  	_ =	shalt  }
0x74: {  	_ =	shalt  }
0x75: {  	_ =	shalt  }
0x76: {  	_ =	shalt  }
0x77: {  	_ =	shalt  }
0x78: {  	_ =	shalt  }
0x79: {  	_ =	shalt  }
0x7a: {  	_ =	shalt  }
0x7b: {  	_ =	shalt  }
0x7c: {  	_ =	shalt  }
0x7d: {  	_ =	shalt  }
0x7e: {  	_ =	shalt  }
0x7f: {  	_ =	shalt  }
0x80: {  	_ =	shalt  }
0x81: {  	_ =	shalt  }
0x82: {  	_ =	shalt  }
0x83: {  	_ =	shalt  }
0x84: {  	_ =	shalt  }
0x85: {  	_ =	shalt  }
0x86: {  	_ =	shalt  }
0x87: {  	_ =	shalt  }
.Lfunc_end0:
.L_simem_size_0:
called_computation_lowered:
.L_overlay_start_0:
0x88: {  	s2 =	sld [smem:$0x3FD9]  }
0x89: {  	s3 =	sld [smem:$0x3FFE];
	_ =	sdelay $0x1  }
0x8a: {  	s1 =	srdreg.scid  }
0x8b: {  	s0 =	sand.u32 $0x1, s1  }
0x8c: {  	s17 =	sshll.u32 s0, $0xA;
	s2 =	sadd.s32 s3, s2  }
0x8d: {  	s2 =	sadd.s32 s2, s17  }
0x8e: {  	[smem:$0x3FC4] =	sst s2  }
0x8f: {  	_ = 	snop  }
0x90: {  	s2 =	sld [smem:$0x3FC9]  }
0x91: {  	s18 =	sld [smem:$0x3FD0];
	(tm) =	ssettm $0x1  }
0x92: {  	s4 =	sld [smem:$0x3FFB];
	_ =	sdelay $0x3  }
0x93: {  	_ =	strace s4  }
0x94: {  	s4 =	sld [smem:$0x3FFC];
	_ =	sdelay $0x3  }
0x95: {  	_ =	strace s4  }
0x96: {  	s4 =	sld [smem:$0x3FFD];
	_ =	sdelay $0x3  }
0x97: {  	_ =	strace s4  }
0x98: {  	_ =	strace $0x8FFFFFFF  }
0x99: {  	s19 =	sld [smem:$0x3FDB];
	_ =	sdelay $0x1  }
0x9a: {  	s5 =	simm.s32 $_scs_section_size  }
0x9b: {  	s6 =	simm.s32 $_size__tile_overlayer_lowered;
	s7 =	simm.s32 $_tile_overlayer_lowered  }
0x9c: {  	s22 =	simm.s32 $0x1BFF;
	s21 =	sshll.u32 s7, $0x1;
	s4 =	sadd.s32 s5, s19  }
0x9d: {  	s8 =	simm.s32 $0x0;
	s20 =	sshll.u32 s6, $0x1;
	s6 =	sadd.s32 s21, s4  }
0x9e: {  	[timem:s8], [sflag:s22] =	dma.local [hbm:s6], s20  }
0x9f: {  	_ =	swait.ge [sflag:s22], s20  }
0xa0: {  	s5 =	ssub.s32 $0x0, s20;
	[sflag:s22] =	ssyncset.done $0x0  }
0xa1: {  	[sflag:s22] =	ssyncadd.s32 s5;
	_ =	sdelay $0x1  }
0xa2: {  	s23 =	simm.s32 $0x1B8B  }
0xa3: {  	_ =	swait.ge [sflag:s23], $0x1  }
0xa4: {  	[sflag:s23] =	ssyncset.done $0x0  }
0xa5: {  	s25 =	simm.s32 $0x1B8E;
	s24 =	sld [smem:$0x3FFE];
	[sflag:s23] =	ssyncadd.s32 $0xFFFFFFFF  }
0xa6: {  	s26 =	simm.s32 $execute0_lowered;
	[smem:$0x3FD2] =	sst s25  }
0xa7: {  	s6 =	sshll.u32 s26, $0x1;
	_ =	strace $0x80000046;
	[dreg:$0x1] =	wrdreg $0xFFFFFFFF  }
0xa8: {  	s28 =	simm.s32 $_size_execute0_lowered;
	s4 =	sadd.s32 s4, s6;
	[dreg:$0x0] =	wrdreg $0x0  }
0xa9: {  	s6 =	sshll.u32 s28, $0x1;
	[dreg:$0x2] =	wrdreg s4  }
0xaa: {  	[dreg:$0x3] =	wrdreg s6  }
0xab: {  	[dreg:$0x4] =	wrdreg $0xC0  }
0xac: {  	_ =	task [dreg:s8], $0x5FFFF  }
0xad: {  	[dreg:$0x1] =	wrdreg $0xFFFFFFFF  }
0xae: {  	[dreg:$0x0] =	wrdreg $0x60  }
0xaf: {  	[dreg:$0x2] =	wrdreg s2  }
0xb0: {  	[dreg:$0x3] =	wrdreg s18  }
0xb1: {  	[dreg:$0x4] =	wrdreg s24  }
0xb2: {  	[dreg:$0x5] =	wrdreg $0x90000  }
0xb3: {  	[dreg:$0x6] =	wrdreg $0x9  }
0xb4: {  	_ =	task.clear_ibuf [dreg:s8], $0x7FFFF;
	_ =	strace $0x90000046  }
0xb5: {  	s29 =	simm.s32 $0x9;
	_ =	strace $0x80000048  }
0xb6: {  	_ =	swait.ge [sflag:s29], $0x1  }
0xb7: {  	[sflag:s29] =	ssyncadd.s32 $0xFFFFFFFF  }
0xb8: {  	_ =	strace $0x90000048  }
0xb9: {  	_ =	sfence  }
0xba: {  	s30 =	sld [smem:$0x0];
	_ =	sdelay $0x2  }
0xbb: {  	s31 =	sshll.u32 s1, $0xD;
	s1 =	sshrl.u32 s1, $0x2  }
0xbc: {  	s3 =	sand.u32 $0x4000, s31;
	s1 =	sadd.s32 s1, s30  }
0xbd: {  	s0 =	sor.u32 s3, s0;
	s1 =	sshll.u32 s1, $0x11  }
0xbe: {  	s0 =	sor.u32 s1, s0  }
0xbf: {  	s0 =	sadd.s32 $0x8F2B, s0  }
0xc0: {  	[sflag:s0] =	ssyncadd.remote.s32 $0x1  }
0xc1: {  	_ =	sfence.sel $0xFFFF  }
0xc2: {  	[dreg:$0x0] =	wrdreg $0xFFFFFFFF;
	(pc) =	sbr.abs _section_cstart, $3  }
0xc3: {  	[dreg:$0x1] =	wrdreg $0xFFFFFFFF  }
0xc4: {  	_ =	task.clear_ibuf [dreg:s8], $0x2FFFF;
	_ =	strace $0x9FFFFFFF  }
0xc5: {  	(tm) =	ssettm $0x7FFFFFFF  }
tec
execute0_lowered:
.L_overlay_start_1:
0x0: {  	(tag) =	ssettag $0x1  }
0x1: {  	s1 =	rddreg [dreg:$0x0]  }
0x2: {  	s7 =	rddreg [dreg:$0x1]  }
0x3: {  	s2 =	srdreg.scid;
	s6 =	rddreg [dreg:$0x2]  }
0x4: {  	s0 =	stileid.u32;
	s3 =	rddreg [dreg:$0x3]  }
0x5: {  	s4 =	simm.s32 $0x0;
	s15 =	simm.s32 $0x5000;
	s16 =	simm.s32 $0x1  }
0x6: {  	s17 =	simm.s32 $0x0;
	s5 =	sand.u32 $0x1, s2;
	s9 =	smul.u32 $0x13C00, s0  }
0x7: {  	s28 =	sshll.u32 s0, $0x1;
	[smem:$0x7FF] =	sst s4;
	s29 =	smul.u32 $0x4F000, s0  }
0x8: {  	s31 =	sshll.u32 s0, $0x6;
	s2 =	sor.u32 s5, s28;
	s10 =	smul.u32 $0x13C000, s5  }
0x9: {  	s5 =	ssub.s32 $0x2, s5;
	s8 =	smul.u32 $0x500, s2;
	s2 =	rddreg [dreg:$0x4]  }
0xa: {  	_ =	strace $0x80000047;
	s12 =	sshrl.u32 s9, $0x3;
	s13 =	sshrl.u32 s5, $0x1  }
0xb: {  	s30 =	sshrl.u32 s29, $0x2;
	s9 =	sadd.s32 s9, s10;
	s12 =	sadd.s32 s12, s6  }
0xc: {  	s13 =	ssub.s32 s5, s13;
	s14 =	sadd.s32 s30, s3;
	s11 =	sadd.s32 s8, s6  }
0xd: {  	s9 =	sshrl.u32 s9, $0x3;
	s5 =	sadd.s32 $0xAA00, s12;
	s7 =	sadd.s32 s7, s8  }
0xe: {  	s10 =	smax.u32 s13, $0x1;
	s12 =	simm.s32 $0x2;
	s13 =	simm.s32 $0x2800  }
0xf: {  	s9 =	sadd.s32 s9, s6;
	s6 =	sor.u32 $0x1C02, s31;
	s8 =	sadd.s32 $0xA00, s11  }
0x10: {  	s11 =	sshrl.u32 s14, $0x3;
	s14 =	simm.s32 $0x80;
	s9 =	sadd.s32 $0x32200, s9  }
.LBB2_1:
0x11: {  	[spmem:s11], [sflag:s6] =	dma.local [hbm:s5], $0x2780  }
0x12: {  	_ =	swait.ge [sflag:s12], $0x2780  }
0x13: {  	[sflag:s12] =	ssyncset.done $0x0  }
0x14: {  	[sflag:s12] =	ssyncadd.s32 $0xFFFFD880  }
0x15: {  	[tilespmem:s4], [sflag:$0x2] =	stream.linear.gather [hbm4b:s7+s4], $0x2780, $0x38;
	[tilespmem:$0x1CC00] =	vst v63  }
0x16: {  	_ =	swait.ge [sflag:s12], $0x2780  }
0x17: {  	[sflag:s12] =	ssyncset.done $0x0  }
0x18: {  	[sflag:s12] =	ssyncadd.s32 $0xFFFFD880  }
0x19: {  	[tilespmem:s13], [sflag:$0x2] =	stream.linear.gather [hbm4b:s8+s4], $0x2780, $0x38;
	[tilespmem:$0x1CC00] =	vst v63  }
0x1a: {  	_ =	swait.ge [sflag:s12], $0x2780  }
0x1b: {  	[sflag:s12] =	ssyncset.done $0x0  }
0x1c: {  	[sflag:s12] =	ssyncadd.s32 $0xFFFFD880  }
0x1d: {  	s18 =	simm.s32 $0x0;
	[bflag:$0x0] =	sbarrier.arrive $0xFFFF  }
0x1e: {  	[tilespmem:s15], [sflag:$0x1] =	stream.indirect.gather [hbm4b:s1+s14], $0x80, s18, s14, $0xb8;
	[tilespmem:$0x1CC00] =	vst v63  }
0x1f: {  	_ =	swait.ge [sflag:s16], $0x4000  }
0x20: {  	[sflag:s16] =	ssyncset.done $0x0  }
0x21: {  	s31 =	simm.s32 $0x2800;
	[sflag:s16] =	ssyncadd.s32 $0xFFFFC000  }
0x22: {  	[spmem:s3] =	stream.indirect.scatter.add.f32 [tilespmem:s15], [sflag:$0x2], $0x80, s31, s14, $0xb8;
	[tilespmem:$0x1CC00] =	vst v63  }
0x23: {  	_ =	swait.ge [sflag:s12], $0x4000  }
0x24: {  	s19 =	simm.s32 $0x400;
	s18 =	simm.s32 $0x200;
	[sflag:s12] =	ssyncset.done $0x0  }
.LBB2_2:
0x25: {  	s20 =	sshra.s32 s18, $0x2  }
0x26: {  	[sflag:s12] =	ssyncadd.s32 $0xFFFFC000;
	s18 =	smov.u32 s19;
	s21 =	sadd.s32 $0x200, s19  }
0x27: {  	[tilespmem:s15], [sflag:$0x1] =	stream.indirect.gather [hbm4b:s1+s14], $0x80, s20, s14, $0xb8;
	[tilespmem:$0x1CC00] =	vst v63  }
0x28: {  	p0 =	sne.s32 s19, $0x9C00;
	_ =	swait.ge [sflag:s16], $0x4000  }
.Ltmp0:
0x29: {  	[sflag:s16] =	ssyncset.done $0x0;
	(pc) =	sbr.rel @p0 .LBB2_2-.Ltmp0, $4  }
0x2a: {  	s19 =	sadd.s32 $0x2800, s20;
	[sflag:s16] =	ssyncadd.s32 $0xFFFFC000  }
0x2b: {  	[spmem:s3] =	stream.indirect.scatter.add.f32 [tilespmem:s15], [sflag:$0x2], $0x80, s19, s14, $0xb8;
	[tilespmem:$0x1CC00] =	vst v63  }
0x2c: {  	_ =	swait.ge [sflag:s12], $0x4000  }
0x2d: {  	s19 =	smov.u32 s21;
	[sflag:s12] =	ssyncset.done $0x0  }
0x2e: {  	s18 =	sshra.s32 s18, $0x2;
	[sflag:s12] =	ssyncadd.s32 $0xFFFFC000  }
0x2f: {  	[tilespmem:s15], [sflag:$0x1] =	stream.indirect.gather [hbm4b:s1+s14], $0x80, s18, s14, $0xb8;
	[tilespmem:$0x1CC00] =	vst v63  }
0x30: {  	_ =	swait.ge [sflag:s16], $0x4000  }
0x31: {  	[sflag:s16] =	ssyncset.done $0x0  }
0x32: {  	s18 =	sadd.s32 $0x2800, s18;
	[sflag:s16] =	ssyncadd.s32 $0xFFFFC000  }
0x33: {  	[spmem:s3] =	stream.indirect.scatter.add.f32 [tilespmem:s15], [sflag:$0x2], $0x80, s18, s14, $0xb8;
	[tilespmem:$0x1CC00] =	vst v63  }
0x34: {  	_ =	swait.ge [sflag:s12], $0x4000  }
0x35: {  	s17 =	sadd.s32 $0x1, s17;
	[sflag:s12] =	ssyncset.done $0x0  }
0x36: {  	p0 =	sne.s32 s17, s10;
	[sflag:s12] =	ssyncadd.s32 $0xFFFFC000  }
.Ltmp1:
0x37: {  	[bflag:$0x0] =	sbarrier.arrive $0xFFFF;
	(pc) =	sbr.rel @p0 .LBB2_1-.Ltmp1, $4  }
0x38: {  	[hbm:s9], [sflag:s6] =	dma.local [spmem:s11], $0x2780  }
0x39: {  	_ =	swait.ge [sflag:s12], $0x2780  }
0x3a: {  	[sflag:s12] =	ssyncset.done $0x0  }
0x3b: {  	[sflag:s12] =	ssyncadd.s32 $0xFFFFD880  }
0x3c: {  	_ =	sfence.sel $0x180000  }
0x3d: {  	[bflag:$0x0] =	sbarrier.arrive $0xFFFF  }
0x3e: {  	p0 =	sne.s32 s0, $0x0;
	_ =	strace $0x90000047  }
0x3f: {  	s0 =	sadd.s32 @!p0 $0x100000, s2;
	[bflag:$0x2] =	sbarrier.arrive $0xFFFF  }
0x40: {  	[sflag:s0] =	ssyncadd.tile.s32 @!p0 $0x1;
	_ =	shalt  }
.Lfunc_end2:
_tile_overlayer_lowered:
.L_overlay_start_2:
0x41: {  	(tag) =	ssettag $0x2  }
0x42: {  	s0 =	rddreg [dreg:$0x0];
	s2 =	stileid.u32  }
0x43: {  	s1 =	rddreg [dreg:$0x1];
	p0 =	sne.s32 s2, $0x0  }
0x44: {  	s3 =	rddreg [dreg:$0x2];
	[bflag:$0x3] =	sbarrier.arrive $0xFFFF;
	s2 =	simm.s32 @!p0 $0x1C02  }
0x45: {  	[timem:s3], [sflag:s2] =	dma.local @!p0 [hbm:s0], s1  }
0x46: {  	s0 =	simm.s32 @!p0 $0x2  }
0x47: {  	_ =	swait.ge @!p0 [sflag:s0], s1  }
0x48: {  	s1 =	ssub.s32 @!p0 $0x0, s1;
	[sflag:s0] =	ssyncset.done @!p0 $0x0  }
0x49: {  	[sflag:s0] =	ssyncadd.s32 @!p0 s1  }
0x4a: {  	[bflag:$0x3] =	sbarrier.arrive $0xFFFF  }
0x4b: {  	_ =	shalt  }

</sc_bundles>
